<compile_context>
chip_gen: v7x
topology: tpu7x:2x2x1
jax: 0.10.2.dev20260603
libtpu: 0.0.44.dev20260713+nightly
codegen_flags: <defaults>
</compile_context>

<pallas_src>
import functools

import jax
import jax.numpy as jnp
from jax import lax
from jax.experimental import pallas as pl
from jax.experimental.pallas import tpu as pltpu
from jax.experimental.pallas import tpu_sc as plsc

NC = 2
NS = 16
NW = NC * NS
D = 16
PK = 8
LAG = 8

f32 = jnp.float32

_SC_PARAMS = pltpu.CompilerParams(use_tc_tiling_on_sc=False)


def _pad_idx(idx, ep, fill):
    return jnp.pad(idx, (0, ep - idx.shape[0]), constant_values=fill)




@jax.jit
def _sc_gather(table, idx3):
    _, n_ch, _, ch = idx3.shape
    per_w = n_ch * ch
    ep = NW * per_w
    lag = min(LAG, n_ch)
    mesh = plsc.VectorSubcoreMesh(core_axis_name="c", subcore_axis_name="s")

    @functools.partial(
        pl.kernel,
        out_type=jax.ShapeDtypeStruct((ep, D), f32),
        mesh=mesh,
        scratch_types=[
            pltpu.VMEM((n_ch, 1, ch), jnp.int32),
            pltpu.VMEM((per_w, D), f32),
            pltpu.SemaphoreType.DMA,
        ],
        compiler_params=_SC_PARAMS,
    )
    def k(table, idx_hbm, out, idx_v, rows_v, sem):
        wid = lax.axis_index("s") * NC + lax.axis_index("c")
        base = wid * per_w
        pltpu.sync_copy(idx_hbm.at[wid], idx_v)

        def desc(c):
            return pltpu.make_async_copy(
                table.at[idx_v.at[c, 0]],
                rows_v.at[pl.ds(c * ch, ch)], sem)

        def body(c, _):
            desc(c).start()

            @pl.when(c >= lag)
            def _():
                desc(c - lag).wait()

            return 0

        lax.fori_loop(0, n_ch, body, 0)

        def drain(t, _):
            desc(n_ch - lag + t).wait()
            return 0

        lax.fori_loop(0, lag, drain, 0)
        pltpu.sync_copy(rows_v, out.at[pl.ds(base, per_w)])

    return k(table, idx3)




@functools.partial(jax.jit, static_argnames=("nout",))
def _sc_scatter_add(rows, idx3, zeros2d, nout):
    _, n_ch, _, ch = idx3.shape
    per_w = n_ch * ch
    ep = NW * per_w
    rp = nout // NS
    mesh = plsc.VectorSubcoreMesh(core_axis_name="c", subcore_axis_name="s")

    @functools.partial(
        pl.kernel,
        out_type=jax.ShapeDtypeStruct((NC, nout, D), f32),
        mesh=mesh,
        scratch_types=[
            pltpu.VMEM((per_w, D), f32),
            pltpu.VMEM((n_ch, 1, ch), jnp.int32),
            pltpu.VMEM_SHARED((nout, D), f32),
        ],
        compiler_params=_SC_PARAMS,
    )
    def k(rows, idx_hbm, z_hbm, out, rows_v, idx_v, acc):
        cid = lax.axis_index("c")
        sid = lax.axis_index("s")
        wid = sid * NC + cid
        base = wid * per_w
        pltpu.sync_copy(rows.at[pl.ds(base, per_w)], rows_v)
        pltpu.sync_copy(idx_hbm.at[wid], idx_v)
        pltpu.sync_copy(z_hbm.at[pl.ds(sid * rp, rp)],
                        acc.at[pl.ds(sid * rp, rp)])
        plsc.subcore_barrier()

        def body(c, _):
            pltpu.sync_copy(rows_v.at[pl.ds(c * ch, ch)],
                            acc.at[idx_v.at[c, 0]], add=True)
            return 0

        lax.fori_loop(0, n_ch, body, 0)
        plsc.subcore_barrier()
        pltpu.sync_copy(acc.at[pl.ds(sid * rp, rp)],
                        out.at[cid, pl.ds(sid * rp, rp)])

    return k(rows, idx3, zeros2d)


@functools.partial(jax.jit, static_argnames=("nout_a", "nout_bc"))
def _sc_count3(idx3a, idx3b, idx3c, ones_a, ones_bc, za, zbc, nout_a, nout_bc):
    _, na, _, cha = idx3a.shape
    _, nb, _, chb = idx3b.shape
    _, ncc, _, chc = idx3c.shape
    rpa, rpb = nout_a // NS, nout_bc // NS
    mesh = plsc.VectorSubcoreMesh(core_axis_name="c", subcore_axis_name="s")

    @functools.partial(
        pl.kernel,
        out_type=(jax.ShapeDtypeStruct((NC, nout_a, D), f32),
                  jax.ShapeDtypeStruct((NC, nout_bc, D), f32),
                  jax.ShapeDtypeStruct((NC, nout_bc, D), f32)),
        mesh=mesh,
        scratch_types=[
            pltpu.VMEM((cha, D), f32),
            pltpu.VMEM((chb, D), f32),
            pltpu.VMEM((na, 1, cha), jnp.int32),
            pltpu.VMEM((nb, 1, chb), jnp.int32),
            pltpu.VMEM((ncc, 1, chc), jnp.int32),
            pltpu.VMEM_SHARED((nout_a, D), f32),
            pltpu.VMEM_SHARED((nout_bc, D), f32),
            pltpu.VMEM_SHARED((nout_bc, D), f32),
        ],
        compiler_params=_SC_PARAMS,
    )
    def k(ia_h, ib_h, ic_h, onesa_h, onesb_h, za_h, zbc_h, oa, ob, oc,
          onesa_v, onesb_v, ia_v, ib_v, ic_v, acca, accb, accc):
        cid = lax.axis_index("c")
        sid = lax.axis_index("s")
        wid = sid * NC + cid
        pltpu.sync_copy(onesa_h, onesa_v)
        pltpu.sync_copy(onesb_h, onesb_v)
        pltpu.sync_copy(ia_h.at[wid], ia_v)
        pltpu.sync_copy(ib_h.at[wid], ib_v)
        pltpu.sync_copy(ic_h.at[wid], ic_v)
        pltpu.sync_copy(za_h.at[pl.ds(sid * rpa, rpa)],
                        acca.at[pl.ds(sid * rpa, rpa)])
        pltpu.sync_copy(zbc_h.at[pl.ds(sid * rpb, rpb)],
                        accb.at[pl.ds(sid * rpb, rpb)])
        pltpu.sync_copy(zbc_h.at[pl.ds(sid * rpb, rpb)],
                        accc.at[pl.ds(sid * rpb, rpb)])
        plsc.subcore_barrier()

        def body_a(c, _):
            pltpu.sync_copy(onesa_v, acca.at[ia_v.at[c, 0]], add=True)
            return 0

        def body_b(c, _):
            pltpu.sync_copy(onesb_v, accb.at[ib_v.at[c, 0]], add=True)
            return 0

        def body_c(c, _):
            pltpu.sync_copy(onesa_v.at[pl.ds(0, chc)],
                            accc.at[ic_v.at[c, 0]], add=True)
            return 0

        lax.fori_loop(0, na, body_a, 0)
        lax.fori_loop(0, nb, body_b, 0)
        lax.fori_loop(0, ncc, body_c, 0)
        plsc.subcore_barrier()
        pltpu.sync_copy(acca.at[pl.ds(sid * rpa, rpa)],
                        oa.at[cid, pl.ds(sid * rpa, rpa)])
        pltpu.sync_copy(accb.at[pl.ds(sid * rpb, rpb)],
                        ob.at[cid, pl.ds(sid * rpb, rpb)])
        pltpu.sync_copy(accc.at[pl.ds(sid * rpb, rpb)],
                        oc.at[cid, pl.ds(sid * rpb, rpb)])

    return k(idx3a, idx3b, idx3c, ones_a, ones_bc, za, zbc)




def _msg_body(ea_ref, xs_ref, w1b_ref, b1b_ref, w2b_ref, b2b_ref, repb_ref,
              foldb_ref, o_ref):
    bf16 = jnp.bfloat16
    h = jnp.dot(ea_ref[...], w1b_ref[...], preferred_element_type=f32)
    h = jnp.maximum(h + b1b_ref[...], 0.0)
    w = jnp.dot(h.astype(bf16), w2b_ref[...], preferred_element_type=f32)
    w = w + b2b_ref[...]
    xsr = jnp.dot(xs_ref[...].astype(bf16), repb_ref[...],
                  preferred_element_type=f32)
    o_ref[...] = jnp.dot((xsr * w).astype(bf16), foldb_ref[...],
                         preferred_element_type=f32)


def _tc_msg(ea_pk, xs_pk, p, eb):
    rpk, fdim8 = ea_pk.shape
    rb = eb // PK
    w1b = _bd(p["w1"])
    b1b = jnp.tile(p["b1"].reshape(1, D), (1, PK))
    w2b = _bd(p["w2"]).astype(jnp.bfloat16)
    b2b = jnp.tile(p["b2"].reshape(1, D * D), (1, PK))
    repb = jnp.kron(jnp.eye(128, dtype=jnp.bfloat16),
                    jnp.ones((1, D), jnp.bfloat16))
    foldb = _bd(jnp.kron(jnp.ones((D, 1), f32),
                         jnp.eye(D, dtype=f32))).astype(jnp.bfloat16)
    return pl.pallas_call(
        _msg_body,
        grid=(rpk // rb,),
        in_specs=[
            pl.BlockSpec((rb, fdim8), lambda i: (i, 0)),
            pl.BlockSpec((rb, 128), lambda i: (i, 0)),
            pl.BlockSpec(w1b.shape, lambda i: (0, 0)),
            pl.BlockSpec(b1b.shape, lambda i: (0, 0)),
            pl.BlockSpec(w2b.shape, lambda i: (0, 0)),
            pl.BlockSpec(b2b.shape, lambda i: (0, 0)),
            pl.BlockSpec(repb.shape, lambda i: (0, 0)),
            pl.BlockSpec(foldb.shape, lambda i: (0, 0)),
        ],
        out_specs=pl.BlockSpec((rb, 128), lambda i: (i, 0)),
        out_shape=jax.ShapeDtypeStruct((rpk, 128), f32),
    )(ea_pk, xs_pk, w1b, b1b, w2b, b2b, repb, foldb)


def _bd(w):
    return jnp.kron(jnp.eye(PK, dtype=f32), w)


def _tile_b(b):
    return jnp.tile(b.reshape(1, D), (1, PK))


def _inv_cnt(c0, c1):
    return 1.0 / jnp.maximum(c0 + c1, 1.0)


def _comb_node_body(p, c, nf, root, bias, o_ref):
    inv = _inv_cnt(c[0], c[1])
    o_ref[...] = jnp.maximum(
        (p[0] + p[1]) * inv
        + jnp.dot(nf[...], root[...], preferred_element_type=f32) + bias[...],
        0.0)


def _lift_body(q, c, cf, w, b, o_ref):
    n = cf.shape[0]
    inv = _inv_cnt(c[0, :n], c[1, :n])
    agg = (q[0, :n] + q[1, :n]) * inv
    o_ref[...] = cf[...] + jnp.maximum(
        jnp.dot(agg, w[...], preferred_element_type=f32) + b[...], 0.0)


def _cliq_body(r, c, cf, root, bias, w, b, cf2_ref, back_ref):
    n = cf.shape[0]
    inv = _inv_cnt(c[0, :n], c[1, :n])
    cf2 = jnp.maximum(
        (r[0, :n] + r[1, :n]) * inv
        + jnp.dot(cf[...], root[...], preferred_element_type=f32) + bias[...],
        0.0)
    cf2_ref[...] = cf2
    back_ref[...] = jnp.maximum(
        jnp.dot(cf2, w[...], preferred_element_type=f32) + b[...], 0.0)


def _add_body(a, g, o_ref):
    o_ref[...] = a[...] + g[...]


def _tc_full(body, outs, *args):
    return pl.pallas_call(body, out_shape=outs)(*args)




def kernel(node_features, edge_index, edge_features, clique_features,
           node2clique_index, clique_edge_index, clique_edge_features, params):
    n_nodes, _ = node_features.shape
    n_cliq = clique_features.shape[0]

    ep_n = 10240
    nout_c = 1008
    npk = n_nodes // PK
    cpk = n_cliq // PK

    src3 = edge_index[0].reshape(NW, -1, 1, 125)
    dst3 = edge_index[1].reshape(NW, -1, 1, 125)
    cliq = node2clique_index[1]
    cliq_g3 = _pad_idx(cliq, ep_n, 0).reshape(NW, -1, 1, 80)
    cliq3 = _pad_idx(cliq, ep_n, n_cliq).reshape(NW, -1, 1, 80)
    csrc3 = clique_edge_index[0].reshape(NW, -1, 1, 125)
    cdst3 = clique_edge_index[1].reshape(NW, -1, 1, 125)

    zeros_n = jnp.zeros((n_nodes, D), f32)
    zeros_c = jnp.zeros((nout_c, D), f32)
    ones125 = jnp.ones((125, D), f32)
    ones80 = jnp.ones((80, D), f32)

    cnt_n, cnt_c, cnt_e = _sc_count3(dst3, cliq3, cdst3, ones125, ones80,
                                     zeros_n, zeros_c, n_nodes, nout_c)
    cnt_n = cnt_n.reshape(NC, npk, 128)
    cnt_c = cnt_c.reshape(NC, -1, 128)
    cnt_e = cnt_e.reshape(NC, -1, 128)

    ef_pk = edge_features.reshape(-1, PK * edge_features.shape[1])
    cef_pk = clique_edge_features.reshape(-1, PK * clique_edge_features.shape[1])
    nf = node_features.reshape(npk, 128)
    cf = clique_features.reshape(cpk, 128)
    for p in params:
        xs = _sc_gather(nf.reshape(n_nodes, D), src3).reshape(-1, 128)
        msg = _tc_msg(ef_pk, xs, p["node"], 6400)
        agg = _sc_scatter_add(msg.reshape(-1, D), dst3, zeros_n,
                              n_nodes).reshape(NC, npk, 128)
        nf = _tc_full(
            _comb_node_body, jax.ShapeDtypeStruct((npk, 128), f32),
            agg, cnt_n, nf,
            _bd(p["node"]["root"]), _tile_b(p["node"]["bias"]))
        nf_pad = jnp.pad(nf, ((0, (ep_n - n_nodes) // PK), (0, 0)))
        lift = _sc_scatter_add(nf_pad.reshape(ep_n, D), cliq3, zeros_c,
                               nout_c).reshape(NC, -1, 128)
        cf = _tc_full(
            _lift_body, jax.ShapeDtypeStruct((cpk, 128), f32),
            lift, cnt_c, cf,
            _bd(p["n2c_w"]), _tile_b(p["n2c_b"]))
        cxs = _sc_gather(cf.reshape(n_cliq, D), csrc3).reshape(-1, 128)
        cmsg = _tc_msg(cef_pk, cxs, p["clique"], 8000)
        cagg = _sc_scatter_add(cmsg.reshape(-1, D), cdst3, zeros_c,
                               nout_c).reshape(NC, -1, 128)
        cf, back = _tc_full(
            _cliq_body,
            (jax.ShapeDtypeStruct((cpk, 128), f32),
             jax.ShapeDtypeStruct((cpk, 128), f32)),
            cagg, cnt_e, cf,
            _bd(p["clique"]["root"]), _tile_b(p["clique"]["bias"]),
            _bd(p["c2n_w"]), _tile_b(p["c2n_b"]))
        g = _sc_gather(back.reshape(n_cliq, D), cliq_g3).reshape(-1, 128)
        nf = _tc_full(_add_body, jax.ShapeDtypeStruct((npk, 128), f32),
                      nf, g[:npk])
    return nf.reshape(n_nodes, D), cf.reshape(n_cliq, D)

# --- scband reference (transcript-rebuilt; emitter-appended) ---
"""Pipeline reference for scband-nnconv-hierarchical-model-41291815584469 (READ-ONLY COPY).

The authoritative reference and input builder live on the scoring server;
editing this copy changes nothing except your own understanding.
"""

import jax, jax.numpy as jnp
import numpy as np

N_NODES = 10000
N_EDGES = 160000
N_CLIQUES = 1000
N_CEDGES = 8000
D = 16
E_EMB = 16
CE_EMB = 4
N_LAYERS = 2


def _seg_mean(vals, ids, n):
    s = jax.ops.segment_sum(vals, ids, num_segments=n)
    c = jax.ops.segment_sum(jnp.ones((vals.shape[0], 1), vals.dtype), ids, num_segments=n)
    return s / jnp.clip(c, 1.0)


def _nnconv(x, edge_index, edge_attr, p, in_ch, out_ch):
    # PyG NNConv, aggr='mean', flow='source_to_target': message from src, aggregated at dst
    src = edge_index[0]
    dst = edge_index[1]
    h = jax.nn.relu(edge_attr @ p['w1'] + p['b1'])
    w = (h @ p['w2'] + p['b2']).reshape(-1, in_ch, out_ch)
    msg = jnp.einsum('ei,eio->eo', x[src], w)
    agg = _seg_mean(msg, dst, x.shape[0])
    return agg + x @ p['root'] + p['bias']


def _layer(nf, ei, ef, cf, n2c, cei, cef, p):
    # HMPConv: node message passing -> node->clique lift -> clique message passing -> clique->node project
    nf = jax.nn.relu(_nnconv(nf, ei, ef, p['node'], D, D))
    agg = _seg_mean(nf[n2c[0]], n2c[1], cf.shape[0])
    cf = cf + jax.nn.relu(agg @ p['n2c_w'] + p['n2c_b'])
    cf = jax.nn.relu(_nnconv(cf, cei, cef, p['clique'], D, D))
    back = jax.nn.relu(cf @ p['c2n_w'] + p['c2n_b'])
    nf = nf + _seg_mean(back[n2c[1]], n2c[0], nf.shape[0])
    return nf, cf


def _forward(node_features, edge_index, edge_features, clique_features, node2clique_index, clique_edge_index, clique_edge_features, params):
    nf, cf = node_features, clique_features
    for p in params:
        nf, cf = _layer(nf, edge_index, edge_features, cf, node2clique_index, clique_edge_index, clique_edge_features, p)
    return nf, cf


def _lin(key, i, o):
    return jax.random.normal(key, (i, o), jnp.float32) / np.sqrt(i)


def _make_params(key):
    params = []
    for l in range(N_LAYERS):
        ks = jax.random.split(jax.random.fold_in(key, l), 8)
        node = {'w1': _lin(ks[0], E_EMB, D), 'b1': jnp.zeros((D,), jnp.float32),
                'w2': _lin(ks[1], D, D * D), 'b2': jnp.zeros((D * D,), jnp.float32),
                'root': _lin(ks[2], D, D), 'bias': jnp.zeros((D,), jnp.float32)}
        clique = {'w1': _lin(ks[3], CE_EMB, D), 'b1': jnp.zeros((D,), jnp.float32),
                  'w2': _lin(ks[4], D, D * D), 'b2': jnp.zeros((D * D,), jnp.float32),
                  'root': _lin(ks[5], D, D), 'bias': jnp.zeros((D,), jnp.float32)}
        params.append({'node': node, 'clique': clique,
                       'n2c_w': _lin(ks[6], D, D), 'n2c_b': jnp.zeros((D,), jnp.float32),
                       'c2n_w': _lin(ks[7], D, D), 'c2n_b': jnp.zeros((D,), jnp.float32)})
    return params


def setup_inputs(seed: int = 0):
    key = jax.random.key(seed)
    ks = jax.random.split(key, 8)
    node_features = jax.random.normal(ks[0], (N_NODES, D), jnp.float32)
    edge_index = jax.random.randint(ks[1], (2, N_EDGES), 0, N_NODES, dtype=jnp.int32)
    edge_features = jax.random.normal(ks[2], (N_EDGES, E_EMB), jnp.float32)
    clique_features = jax.random.normal(ks[3], (N_CLIQUES, D), jnp.float32)
    node2clique_index = jnp.stack([jnp.arange(N_NODES, dtype=jnp.int32),
                                   jax.random.randint(ks[4], (N_NODES,), 0, N_CLIQUES, dtype=jnp.int32)])
    clique_edge_index = jax.random.randint(ks[5], (2, N_CEDGES), 0, N_CLIQUES, dtype=jnp.int32)
    clique_edge_features = jax.random.normal(ks[6], (N_CEDGES, CE_EMB), jnp.float32)
    params = _make_params(ks[7])
    return {'node_features': node_features, 'edge_index': edge_index, 'edge_features': edge_features,
            'clique_features': clique_features, 'node2clique_index': node2clique_index,
            'clique_edge_index': clique_edge_index, 'clique_edge_features': clique_edge_features,
            'params': params}


def reference(node_features, edge_index, edge_features, clique_features, node2clique_index, clique_edge_index, clique_edge_features, params):
    return _forward(node_features, edge_index, edge_features, clique_features, node2clique_index, clique_edge_index, clique_edge_features, params)

if __name__ == "__main__":
    import jax
    _d = setup_inputs()
    print(jax.jit(kernel)(*tuple(_d.values())))

</pallas_src>

<mosaic_0001>
#map = affine_map<(d0, d1) -> (0, 0, 0, 0)>
#map1 = affine_map<(d0, d1) -> (0, 0)>
#map2 = affine_map<(d0, d1) -> (0, 0, 0)>
module attributes {stable_mosaic.version = 14 : i64} {
  func.func @k(%arg0: i32, %arg1: i32, %arg2: memref<32x40x1x125xi32, #tpu.memory_space<hbm>>, %arg3: memref<32x4x1x80xi32, #tpu.memory_space<hbm>>, %arg4: memref<32x2x1x125xi32, #tpu.memory_space<hbm>>, %arg5: memref<125x16xf32, #tpu.memory_space<hbm>>, %arg6: memref<80x16xf32, #tpu.memory_space<hbm>>, %arg7: memref<10000x16xf32, #tpu.memory_space<hbm>>, %arg8: memref<1008x16xf32, #tpu.memory_space<hbm>>, %arg9: memref<2x10000x16xf32, #tpu.memory_space<hbm>>, %arg10: memref<2x1008x16xf32, #tpu.memory_space<hbm>>, %arg11: memref<2x1008x16xf32, #tpu.memory_space<hbm>>, %arg12: memref<125x16xf32, #tpu.memory_space<vmem>>, %arg13: memref<80x16xf32, #tpu.memory_space<vmem>>, %arg14: memref<40x1x125xi32, #tpu.memory_space<vmem>>, %arg15: memref<4x1x80xi32, #tpu.memory_space<vmem>>, %arg16: memref<2x1x125xi32, #tpu.memory_space<vmem>>, %arg17: memref<10000x16xf32, #tpu.memory_space<vmem_shared>>, %arg18: memref<1008x16xf32, #tpu.memory_space<vmem_shared>>, %arg19: memref<1008x16xf32, #tpu.memory_space<vmem_shared>>) attributes {dimension_semantics = [#tpu.dimension_semantics<core_parallel>, #tpu.dimension_semantics<subcore_parallel>], iteration_bounds = array<i64: 2, 16>, scalar_prefetch = 0 : i64, scratch_operands = 8 : i64, tpu.core_type = #tpu.core_type<sc_vector_subcore>, window_params = [{transform_indices = #map}, {transform_indices = #map}, {transform_indices = #map}, {transform_indices = #map1}, {transform_indices = #map1}, {transform_indices = #map1}, {transform_indices = #map1}, {transform_indices = #map2}, {transform_indices = #map2}, {transform_indices = #map2}]} {
    %mul3A = arith.constant 2 : i32
    %mul3A_0 = arith.muli %arg1, %mul3A : i32
    %add3A = arith.addi %mul3A_0, %arg0 : i32
    "tpu.region"() ({
      %run_scoped3A = tpu.sem_alloc : memref<!tpu.dma_semaphore, #tpu.memory_space<semaphore_mem>>
      tpu.enqueue_dma source(%arg5 : memref<125x16xf32, #tpu.memory_space<hbm>>) target(%arg12 : memref<125x16xf32, #tpu.memory_space<vmem>>) target_semaphore(%run_scoped3A : memref<!tpu.dma_semaphore, #tpu.memory_space<semaphore_mem>>)
      tpu.wait_dma2 semaphore(%run_scoped3A : memref<!tpu.dma_semaphore, #tpu.memory_space<semaphore_mem>>) src(%arg5 : memref<125x16xf32, #tpu.memory_space<hbm>>) dst(%arg12 : memref<125x16xf32, #tpu.memory_space<vmem>>)
      tpu.yield
    }) : () -> ()
    "tpu.region"() ({
      %run_scoped3A = tpu.sem_alloc : memref<!tpu.dma_semaphore, #tpu.memory_space<semaphore_mem>>
      tpu.enqueue_dma source(%arg6 : memref<80x16xf32, #tpu.memory_space<hbm>>) target(%arg13 : memref<80x16xf32, #tpu.memory_space<vmem>>) target_semaphore(%run_scoped3A : memref<!tpu.dma_semaphore, #tpu.memory_space<semaphore_mem>>)
      tpu.wait_dma2 semaphore(%run_scoped3A : memref<!tpu.dma_semaphore, #tpu.memory_space<semaphore_mem>>) src(%arg6 : memref<80x16xf32, #tpu.memory_space<hbm>>) dst(%arg13 : memref<80x16xf32, #tpu.memory_space<vmem>>)
      tpu.yield
    }) : () -> ()
    "tpu.region"() ({
      %run_scoped3A = tpu.sem_alloc : memref<!tpu.dma_semaphore, #tpu.memory_space<semaphore_mem>>
      %dma_start3A = arith.constant 0 : i32
      %dma_start3A_46 = arith.constant 0 : i32
      %dma_start3A_47 = arith.constant 0 : i32
      %dma_start3A_48 = tpu.memref_slice %arg2[%add3A, %dma_start3A, %dma_start3A_46, %dma_start3A_47] : memref<32x40x1x125xi32, #tpu.memory_space<hbm>> -> memref<1x40x1x125xi32, #tpu.memory_space<hbm>>
      %dma_start3A_49 = tpu.memref_squeeze %dma_start3A_48 : memref<1x40x1x125xi32, #tpu.memory_space<hbm>> -> memref<40x1x125xi32, #tpu.memory_space<hbm>>
      %dma_start3A_50 = arith.constant 0 : i32
      %dma_start3A_51 = arith.constant 0 : i32
      %dma_start3A_52 = arith.constant 0 : i32
      %dma_start3A_53 = tpu.memref_slice %arg2[%add3A, %dma_start3A_50, %dma_start3A_51, %dma_start3A_52] : memref<32x40x1x125xi32, #tpu.memory_space<hbm>> -> memref<1x40x1x125xi32, #tpu.memory_space<hbm>>
      %dma_start3A_54 = tpu.memref_squeeze %dma_start3A_53 : memref<1x40x1x125xi32, #tpu.memory_space<hbm>> -> memref<40x1x125xi32, #tpu.memory_space<hbm>>
      tpu.enqueue_dma source(%dma_start3A_54 : memref<40x1x125xi32, #tpu.memory_space<hbm>>) target(%arg14 : memref<40x1x125xi32, #tpu.memory_space<vmem>>) target_semaphore(%run_scoped3A : memref<!tpu.dma_semaphore, #tpu.memory_space<semaphore_mem>>)
      %dma_wait3A = arith.constant 0 : i32
      %dma_wait3A_55 = arith.constant 0 : i32
      %dma_wait3A_56 = arith.constant 0 : i32
      %dma_wait3A_57 = tpu.memref_slice %arg2[%add3A, %dma_wait3A, %dma_wait3A_55, %dma_wait3A_56] : memref<32x40x1x125xi32, #tpu.memory_space<hbm>> -> memref<1x40x1x125xi32, #tpu.memory_space<hbm>>
      %dma_wait3A_58 = tpu.memref_squeeze %dma_wait3A_57 : memref<1x40x1x125xi32, #tpu.memory_space<hbm>> -> memref<40x1x125xi32, #tpu.memory_space<hbm>>
      %dma_wait3A_59 = arith.constant 0 : i32
      %dma_wait3A_60 = arith.constant 0 : i32
      %dma_wait3A_61 = arith.constant 0 : i32
      %dma_wait3A_62 = tpu.memref_slice %arg2[%add3A, %dma_wait3A_59, %dma_wait3A_60, %dma_wait3A_61] : memref<32x40x1x125xi32, #tpu.memory_space<hbm>> -> memref<1x40x1x125xi32, #tpu.memory_space<hbm>>
      %dma_wait3A_63 = tpu.memref_squeeze %dma_wait3A_62 : memref<1x40x1x125xi32, #tpu.memory_space<hbm>> -> memref<40x1x125xi32, #tpu.memory_space<hbm>>
      tpu.wait_dma2 semaphore(%run_scoped3A : memref<!tpu.dma_semaphore, #tpu.memory_space<semaphore_mem>>) src(%dma_wait3A_63 : memref<40x1x125xi32, #tpu.memory_space<hbm>>) dst(%arg14 : memref<40x1x125xi32, #tpu.memory_space<vmem>>)
      tpu.yield
    }) : () -> ()
    "tpu.region"() ({
      %run_scoped3A = tpu.sem_alloc : memref<!tpu.dma_semaphore, #tpu.memory_space<semaphore_mem>>
      %dma_start3A = arith.constant 0 : i32
      %dma_start3A_46 = arith.constant 0 : i32
      %dma_start3A_47 = arith.constant 0 : i32
      %dma_start3A_48 = tpu.memref_slice %arg3[%add3A, %dma_start3A, %dma_start3A_46, %dma_start3A_47] : memref<32x4x1x80xi32, #tpu.memory_space<hbm>> -> memref<1x4x1x80xi32, #tpu.memory_space<hbm>>
      %dma_start3A_49 = tpu.memref_squeeze %dma_start3A_48 : memref<1x4x1x80xi32, #tpu.memory_space<hbm>> -> memref<4x1x80xi32, #tpu.memory_space<hbm>>
      %dma_start3A_50 = arith.constant 0 : i32
      %dma_start3A_51 = arith.constant 0 : i32
      %dma_start3A_52 = arith.constant 0 : i32
      %dma_start3A_53 = tpu.memref_slice %arg3[%add3A, %dma_start3A_50, %dma_start3A_51, %dma_start3A_52] : memref<32x4x1x80xi32, #tpu.memory_space<hbm>> -> memref<1x4x1x80xi32, #tpu.memory_space<hbm>>
      %dma_start3A_54 = tpu.memref_squeeze %dma_start3A_53 : memref<1x4x1x80xi32, #tpu.memory_space<hbm>> -> memref<4x1x80xi32, #tpu.memory_space<hbm>>
      tpu.enqueue_dma source(%dma_start3A_54 : memref<4x1x80xi32, #tpu.memory_space<hbm>>) target(%arg15 : memref<4x1x80xi32, #tpu.memory_space<vmem>>) target_semaphore(%run_scoped3A : memref<!tpu.dma_semaphore, #tpu.memory_space<semaphore_mem>>)
      %dma_wait3A = arith.constant 0 : i32
      %dma_wait3A_55 = arith.constant 0 : i32
      %dma_wait3A_56 = arith.constant 0 : i32
      %dma_wait3A_57 = tpu.memref_slice %arg3[%add3A, %dma_wait3A, %dma_wait3A_55, %dma_wait3A_56] : memref<32x4x1x80xi32, #tpu.memory_space<hbm>> -> memref<1x4x1x80xi32, #tpu.memory_space<hbm>>
      %dma_wait3A_58 = tpu.memref_squeeze %dma_wait3A_57 : memref<1x4x1x80xi32, #tpu.memory_space<hbm>> -> memref<4x1x80xi32, #tpu.memory_space<hbm>>
      %dma_wait3A_59 = arith.constant 0 : i32
      %dma_wait3A_60 = arith.constant 0 : i32
      %dma_wait3A_61 = arith.constant 0 : i32
      %dma_wait3A_62 = tpu.memref_slice %arg3[%add3A, %dma_wait3A_59, %dma_wait3A_60, %dma_wait3A_61] : memref<32x4x1x80xi32, #tpu.memory_space<hbm>> -> memref<1x4x1x80xi32, #tpu.memory_space<hbm>>
      %dma_wait3A_63 = tpu.memref_squeeze %dma_wait3A_62 : memref<1x4x1x80xi32, #tpu.memory_space<hbm>> -> memref<4x1x80xi32, #tpu.memory_space<hbm>>
      tpu.wait_dma2 semaphore(%run_scoped3A : memref<!tpu.dma_semaphore, #tpu.memory_space<semaphore_mem>>) src(%dma_wait3A_63 : memref<4x1x80xi32, #tpu.memory_space<hbm>>) dst(%arg15 : memref<4x1x80xi32, #tpu.memory_space<vmem>>)
      tpu.yield
    }) : () -> ()
    "tpu.region"() ({
      %run_scoped3A = tpu.sem_alloc : memref<!tpu.dma_semaphore, #tpu.memory_space<semaphore_mem>>
      %dma_start3A = arith.constant 0 : i32
      %dma_start3A_46 = arith.constant 0 : i32
      %dma_start3A_47 = arith.constant 0 : i32
      %dma_start3A_48 = tpu.memref_slice %arg4[%add3A, %dma_start3A, %dma_start3A_46, %dma_start3A_47] : memref<32x2x1x125xi32, #tpu.memory_space<hbm>> -> memref<1x2x1x125xi32, #tpu.memory_space<hbm>>
      %dma_start3A_49 = tpu.memref_squeeze %dma_start3A_48 : memref<1x2x1x125xi32, #tpu.memory_space<hbm>> -> memref<2x1x125xi32, #tpu.memory_space<hbm>>
      %dma_start3A_50 = arith.constant 0 : i32
      %dma_start3A_51 = arith.constant 0 : i32
      %dma_start3A_52 = arith.constant 0 : i32
      %dma_start3A_53 = tpu.memref_slice %arg4[%add3A, %dma_start3A_50, %dma_start3A_51, %dma_start3A_52] : memref<32x2x1x125xi32, #tpu.memory_space<hbm>> -> memref<1x2x1x125xi32, #tpu.memory_space<hbm>>
      %dma_start3A_54 = tpu.memref_squeeze %dma_start3A_53 : memref<1x2x1x125xi32, #tpu.memory_space<hbm>> -> memref<2x1x125xi32, #tpu.memory_space<hbm>>
      tpu.enqueue_dma source(%dma_start3A_54 : memref<2x1x125xi32, #tpu.memory_space<hbm>>) target(%arg16 : memref<2x1x125xi32, #tpu.memory_space<vmem>>) target_semaphore(%run_scoped3A : memref<!tpu.dma_semaphore, #tpu.memory_space<semaphore_mem>>)
      %dma_wait3A = arith.constant 0 : i32
      %dma_wait3A_55 = arith.constant 0 : i32
      %dma_wait3A_56 = arith.constant 0 : i32
      %dma_wait3A_57 = tpu.memref_slice %arg4[%add3A, %dma_wait3A, %dma_wait3A_55, %dma_wait3A_56] : memref<32x2x1x125xi32, #tpu.memory_space<hbm>> -> memref<1x2x1x125xi32, #tpu.memory_space<hbm>>
      %dma_wait3A_58 = tpu.memref_squeeze %dma_wait3A_57 : memref<1x2x1x125xi32, #tpu.memory_space<hbm>> -> memref<2x1x125xi32, #tpu.memory_space<hbm>>
      %dma_wait3A_59 = arith.constant 0 : i32
      %dma_wait3A_60 = arith.constant 0 : i32
      %dma_wait3A_61 = arith.constant 0 : i32
      %dma_wait3A_62 = tpu.memref_slice %arg4[%add3A, %dma_wait3A_59, %dma_wait3A_60, %dma_wait3A_61] : memref<32x2x1x125xi32, #tpu.memory_space<hbm>> -> memref<1x2x1x125xi32, #tpu.memory_space<hbm>>
      %dma_wait3A_63 = tpu.memref_squeeze %dma_wait3A_62 : memref<1x2x1x125xi32, #tpu.memory_space<hbm>> -> memref<2x1x125xi32, #tpu.memory_space<hbm>>
      tpu.wait_dma2 semaphore(%run_scoped3A : memref<!tpu.dma_semaphore, #tpu.memory_space<semaphore_mem>>) src(%dma_wait3A_63 : memref<2x1x125xi32, #tpu.memory_space<hbm>>) dst(%arg16 : memref<2x1x125xi32, #tpu.memory_space<vmem>>)
      tpu.yield
    }) : () -> ()
    %mul3A_1 = arith.constant 625 : i32
    %mul3A_2 = arith.muli %arg1, %mul3A_1 : i32
    %mul3A_3 = arith.constant 625 : i32
    %mul3A_4 = arith.muli %arg1, %mul3A_3 : i32
    "tpu.region"() ({
      %run_scoped3A = tpu.sem_alloc : memref<!tpu.dma_semaphore, #tpu.memory_space<semaphore_mem>>
      %dma_start3A = arith.constant 0 : i32
      %dma_start3A_46 = tpu.memref_slice %arg17[%mul3A_4, %dma_start3A] : memref<10000x16xf32, #tpu.memory_space<vmem_shared>> -> memref<625x16xf32, #tpu.memory_space<vmem_shared>>
      %dma_start3A_47 = arith.constant 0 : i32
      %dma_start3A_48 = tpu.memref_slice %arg7[%mul3A_2, %dma_start3A_47] : memref<10000x16xf32, #tpu.memory_space<hbm>> -> memref<625x16xf32, #tpu.memory_space<hbm>>
      tpu.enqueue_dma source(%dma_start3A_48 : memref<625x16xf32, #tpu.memory_space<hbm>>) target(%dma_start3A_46 : memref<625x16xf32, #tpu.memory_space<vmem_shared>>) target_semaphore(%run_scoped3A : memref<!tpu.dma_semaphore, #tpu.memory_space<semaphore_mem>>)
      %dma_wait3A = arith.constant 0 : i32
      %dma_wait3A_49 = tpu.memref_slice %arg17[%mul3A_4, %dma_wait3A] : memref<10000x16xf32, #tpu.memory_space<vmem_shared>> -> memref<625x16xf32, #tpu.memory_space<vmem_shared>>
      %dma_wait3A_50 = arith.constant 0 : i32
      %dma_wait3A_51 = tpu.memref_slice %arg7[%mul3A_2, %dma_wait3A_50] : memref<10000x16xf32, #tpu.memory_space<hbm>> -> memref<625x16xf32, #tpu.memory_space<hbm>>
      tpu.wait_dma2 semaphore(%run_scoped3A : memref<!tpu.dma_semaphore, #tpu.memory_space<semaphore_mem>>) src(%dma_wait3A_51 : memref<625x16xf32, #tpu.memory_space<hbm>>) dst(%dma_wait3A_49 : memref<625x16xf32, #tpu.memory_space<vmem_shared>>)
      tpu.yield
    }) : () -> ()
    %mul3A_5 = arith.constant 63 : i32
    %mul3A_6 = arith.muli %arg1, %mul3A_5 : i32
    %mul3A_7 = arith.constant 63 : i32
    %mul3A_8 = arith.muli %arg1, %mul3A_7 : i32
    "tpu.region"() ({
      %run_scoped3A = tpu.sem_alloc : memref<!tpu.dma_semaphore, #tpu.memory_space<semaphore_mem>>
      %dma_start3A = arith.constant 0 : i32
      %dma_start3A_46 = tpu.memref_slice %arg18[%mul3A_8, %dma_start3A] : memref<1008x16xf32, #tpu.memory_space<vmem_shared>> -> memref<63x16xf32, #tpu.memory_space<vmem_shared>>
      %dma_start3A_47 = arith.constant 0 : i32
      %dma_start3A_48 = tpu.memref_slice %arg8[%mul3A_6, %dma_start3A_47] : memref<1008x16xf32, #tpu.memory_space<hbm>> -> memref<63x16xf32, #tpu.memory_space<hbm>>
      tpu.enqueue_dma source(%dma_start3A_48 : memref<63x16xf32, #tpu.memory_space<hbm>>) target(%dma_start3A_46 : memref<63x16xf32, #tpu.memory_space<vmem_shared>>) target_semaphore(%run_scoped3A : memref<!tpu.dma_semaphore, #tpu.memory_space<semaphore_mem>>)
      %dma_wait3A = arith.constant 0 : i32
      %dma_wait3A_49 = tpu.memref_slice %arg18[%mul3A_8, %dma_wait3A] : memref<1008x16xf32, #tpu.memory_space<vmem_shared>> -> memref<63x16xf32, #tpu.memory_space<vmem_shared>>
      %dma_wait3A_50 = arith.constant 0 : i32
      %dma_wait3A_51 = tpu.memref_slice %arg8[%mul3A_6, %dma_wait3A_50] : memref<1008x16xf32, #tpu.memory_space<hbm>> -> memref<63x16xf32, #tpu.memory_space<hbm>>
      tpu.wait_dma2 semaphore(%run_scoped3A : memref<!tpu.dma_semaphore, #tpu.memory_space<semaphore_mem>>) src(%dma_wait3A_51 : memref<63x16xf32, #tpu.memory_space<hbm>>) dst(%dma_wait3A_49 : memref<63x16xf32, #tpu.memory_space<vmem_shared>>)
      tpu.yield
    }) : () -> ()
    %mul3A_9 = arith.constant 63 : i32
    %mul3A_10 = arith.muli %arg1, %mul3A_9 : i32
    %mul3A_11 = arith.constant 63 : i32
    %mul3A_12 = arith.muli %arg1, %mul3A_11 : i32
    "tpu.region"() ({
      %run_scoped3A = tpu.sem_alloc : memref<!tpu.dma_semaphore, #tpu.memory_space<semaphore_mem>>
      %dma_start3A = arith.constant 0 : i32
      %dma_start3A_46 = tpu.memref_slice %arg19[%mul3A_12, %dma_start3A] : memref<1008x16xf32, #tpu.memory_space<vmem_shared>> -> memref<63x16xf32, #tpu.memory_space<vmem_shared>>
      %dma_start3A_47 = arith.constant 0 : i32
      %dma_start3A_48 = tpu.memref_slice %arg8[%mul3A_10, %dma_start3A_47] : memref<1008x16xf32, #tpu.memory_space<hbm>> -> memref<63x16xf32, #tpu.memory_space<hbm>>
      tpu.enqueue_dma source(%dma_start3A_48 : memref<63x16xf32, #tpu.memory_space<hbm>>) target(%dma_start3A_46 : memref<63x16xf32, #tpu.memory_space<vmem_shared>>) target_semaphore(%run_scoped3A : memref<!tpu.dma_semaphore, #tpu.memory_space<semaphore_mem>>)
      %dma_wait3A = arith.constant 0 : i32
      %dma_wait3A_49 = tpu.memref_slice %arg19[%mul3A_12, %dma_wait3A] : memref<1008x16xf32, #tpu.memory_space<vmem_shared>> -> memref<63x16xf32, #tpu.memory_space<vmem_shared>>
      %dma_wait3A_50 = arith.constant 0 : i32
      %dma_wait3A_51 = tpu.memref_slice %arg8[%mul3A_10, %dma_wait3A_50] : memref<1008x16xf32, #tpu.memory_space<hbm>> -> memref<63x16xf32, #tpu.memory_space<hbm>>
      tpu.wait_dma2 semaphore(%run_scoped3A : memref<!tpu.dma_semaphore, #tpu.memory_space<semaphore_mem>>) src(%dma_wait3A_51 : memref<63x16xf32, #tpu.memory_space<hbm>>) dst(%dma_wait3A_49 : memref<63x16xf32, #tpu.memory_space<vmem_shared>>)
      tpu.yield
    }) : () -> ()
    %barrier3A = arith.constant 0 : index
    tpu.barrier barrier_id(%barrier3A)
    %scan3A = arith.constant 0 : i32
    %scan3A_13 = arith.constant 0 : i32
    %scan3A_14 = arith.constant 40 : i32
    %scan3A_15 = arith.addi %scan3A_13, %scan3A_14 : i32
    %scan3A_16 = arith.constant 1 : i32
    %scan3A_17 = scf.for %scan3A_46 = %scan3A_13 to %scan3A_15 step %scan3A_16 iter_args(%scan3A_47 = %scan3A) -> (i32)  : i32 {
      %run_scoped3A = arith.constant 0 : i32
      "tpu.region"() ({
        %run_scoped3A_49 = tpu.sem_alloc : memref<!tpu.dma_semaphore, #tpu.memory_space<semaphore_mem>>
        %dma_start3A = arith.constant 0 : i32
        %dma_start3A_50 = tpu.memref_slice %arg14[%scan3A_46, %run_scoped3A, %dma_start3A] : memref<40x1x125xi32, #tpu.memory_space<vmem>> -> memref<1x1x125xi32, #tpu.memory_space<vmem>>
        %dma_start3A_51 = tpu.memref_squeeze %dma_start3A_50 : memref<1x1x125xi32, #tpu.memory_space<vmem>> -> memref<125xi32, #tpu.memory_space<vmem>>
        %dma_start3A_52 = arith.constant 0 : i32
        %dma_start3A_53 = arith.constant 0 : i32
        %dma_start3A_54 = tpu.memref_slice %arg17[%dma_start3A_52, %dma_start3A_53] : memref<10000x16xf32, #tpu.memory_space<vmem_shared>> -> memref<10000x16xf32, #tpu.memory_space<vmem_shared>>
        tpu.enqueue_indirect_dma source(%arg12 : memref<125x16xf32, #tpu.memory_space<vmem>>) target(%dma_start3A_54 : memref<10000x16xf32, #tpu.memory_space<vmem_shared>>) offsets(%dma_start3A_51 : memref<125xi32, #tpu.memory_space<vmem>>) semaphore(%run_scoped3A_49 : memref<!tpu.dma_semaphore, #tpu.memory_space<semaphore_mem>>) {add = true}
        %dma_wait3A = arith.constant 0 : i32
        %dma_wait3A_55 = tpu.memref_slice %arg14[%scan3A_46, %run_scoped3A, %dma_wait3A] : memref<40x1x125xi32, #tpu.memory_space<vmem>> -> memref<1x1x125xi32, #tpu.memory_space<vmem>>
        %dma_wait3A_56 = tpu.memref_squeeze %dma_wait3A_55 : memref<1x1x125xi32, #tpu.memory_space<vmem>> -> memref<125xi32, #tpu.memory_space<vmem>>
        %dma_wait3A_57 = arith.constant 0 : i32
        %dma_wait3A_58 = arith.constant 0 : i32
        %dma_wait3A_59 = tpu.memref_slice %arg17[%dma_wait3A_57, %dma_wait3A_58] : memref<10000x16xf32, #tpu.memory_space<vmem_shared>> -> memref<10000x16xf32, #tpu.memory_space<vmem_shared>>
        tpu.wait_indirect_dma semaphore(%run_scoped3A_49 : memref<!tpu.dma_semaphore, #tpu.memory_space<semaphore_mem>>) src(%arg12 : memref<125x16xf32, #tpu.memory_space<vmem>>) dst(%dma_wait3A_59 : memref<10000x16xf32, #tpu.memory_space<vmem_shared>>)
        tpu.yield
      }) : () -> ()
      %scan3A_48 = arith.constant 0 : i32
      scf.yield %scan3A_48 : i32
    }
    %scan3A_18 = arith.constant 40 : i32
    %scan3A_19 = arith.constant 0 : i32
    %scan3A_20 = arith.constant 0 : i32
    %scan3A_21 = arith.constant 4 : i32
    %scan3A_22 = arith.addi %scan3A_20, %scan3A_21 : i32
    %scan3A_23 = arith.constant 1 : i32
    %scan3A_24 = scf.for %scan3A_46 = %scan3A_20 to %scan3A_22 step %scan3A_23 iter_args(%scan3A_47 = %scan3A_19) -> (i32)  : i32 {
      %run_scoped3A = arith.constant 0 : i32
      "tpu.region"() ({
        %run_scoped3A_49 = tpu.sem_alloc : memref<!tpu.dma_semaphore, #tpu.memory_space<semaphore_mem>>
        %dma_start3A = arith.constant 0 : i32
        %dma_start3A_50 = tpu.memref_slice %arg15[%scan3A_46, %run_scoped3A, %dma_start3A] : memref<4x1x80xi32, #tpu.memory_space<vmem>> -> memref<1x1x80xi32, #tpu.memory_space<vmem>>
        %dma_start3A_51 = tpu.memref_squeeze %dma_start3A_50 : memref<1x1x80xi32, #tpu.memory_space<vmem>> -> memref<80xi32, #tpu.memory_space<vmem>>
        %dma_start3A_52 = arith.constant 0 : i32
        %dma_start3A_53 = arith.constant 0 : i32
        %dma_start3A_54 = tpu.memref_slice %arg18[%dma_start3A_52, %dma_start3A_53] : memref<1008x16xf32, #tpu.memory_space<vmem_shared>> -> memref<1008x16xf32, #tpu.memory_space<vmem_shared>>
        tpu.enqueue_indirect_dma source(%arg13 : memref<80x16xf32, #tpu.memory_space<vmem>>) target(%dma_start3A_54 : memref<1008x16xf32, #tpu.memory_space<vmem_shared>>) offsets(%dma_start3A_51 : memref<80xi32, #tpu.memory_space<vmem>>) semaphore(%run_scoped3A_49 : memref<!tpu.dma_semaphore, #tpu.memory_space<semaphore_mem>>) {add = true}
        %dma_wait3A = arith.constant 0 : i32
        %dma_wait3A_55 = tpu.memref_slice %arg15[%scan3A_46, %run_scoped3A, %dma_wait3A] : memref<4x1x80xi32, #tpu.memory_space<vmem>> -> memref<1x1x80xi32, #tpu.memory_space<vmem>>
        %dma_wait3A_56 = tpu.memref_squeeze %dma_wait3A_55 : memref<1x1x80xi32, #tpu.memory_space<vmem>> -> memref<80xi32, #tpu.memory_space<vmem>>
        %dma_wait3A_57 = arith.constant 0 : i32
        %dma_wait3A_58 = arith.constant 0 : i32
        %dma_wait3A_59 = tpu.memref_slice %arg18[%dma_wait3A_57, %dma_wait3A_58] : memref<1008x16xf32, #tpu.memory_space<vmem_shared>> -> memref<1008x16xf32, #tpu.memory_space<vmem_shared>>
        tpu.wait_indirect_dma semaphore(%run_scoped3A_49 : memref<!tpu.dma_semaphore, #tpu.memory_space<semaphore_mem>>) src(%arg13 : memref<80x16xf32, #tpu.memory_space<vmem>>) dst(%dma_wait3A_59 : memref<1008x16xf32, #tpu.memory_space<vmem_shared>>)
        tpu.yield
      }) : () -> ()
      %scan3A_48 = arith.constant 0 : i32
      scf.yield %scan3A_48 : i32
    }
    %scan3A_25 = arith.constant 4 : i32
    %scan3A_26 = arith.constant 0 : i32
    %scan3A_27 = arith.constant 0 : i32
    %scan3A_28 = arith.constant 2 : i32
    %scan3A_29 = arith.addi %scan3A_27, %scan3A_28 : i32
    %scan3A_30 = arith.constant 1 : i32
    %scan3A_31 = scf.for %scan3A_46 = %scan3A_27 to %scan3A_29 step %scan3A_30 iter_args(%scan3A_47 = %scan3A_26) -> (i32)  : i32 {
      %run_scoped3A = arith.constant 0 : i32
      "tpu.region"() ({
        %run_scoped3A_49 = tpu.sem_alloc : memref<!tpu.dma_semaphore, #tpu.memory_space<semaphore_mem>>
        %dma_start3A = arith.constant 0 : i32
        %dma_start3A_50 = arith.constant 0 : i32
        %dma_start3A_51 = tpu.memref_slice %arg12[%dma_start3A, %dma_start3A_50] : memref<125x16xf32, #tpu.memory_space<vmem>> -> memref<125x16xf32, #tpu.memory_space<vmem>>
        %dma_start3A_52 = arith.constant 0 : i32
        %dma_start3A_53 = tpu.memref_slice %arg16[%scan3A_46, %run_scoped3A, %dma_start3A_52] : memref<2x1x125xi32, #tpu.memory_space<vmem>> -> memref<1x1x125xi32, #tpu.memory_space<vmem>>
        %dma_start3A_54 = tpu.memref_squeeze %dma_start3A_53 : memref<1x1x125xi32, #tpu.memory_space<vmem>> -> memref<125xi32, #tpu.memory_space<vmem>>
        %dma_start3A_55 = arith.constant 0 : i32
        %dma_start3A_56 = arith.constant 0 : i32
        %dma_start3A_57 = tpu.memref_slice %arg19[%dma_start3A_55, %dma_start3A_56] : memref<1008x16xf32, #tpu.memory_space<vmem_shared>> -> memref<1008x16xf32, #tpu.memory_space<vmem_shared>>
        tpu.enqueue_indirect_dma source(%dma_start3A_51 : memref<125x16xf32, #tpu.memory_space<vmem>>) target(%dma_start3A_57 : memref<1008x16xf32, #tpu.memory_space<vmem_shared>>) offsets(%dma_start3A_54 : memref<125xi32, #tpu.memory_space<vmem>>) semaphore(%run_scoped3A_49 : memref<!tpu.dma_semaphore, #tpu.memory_space<semaphore_mem>>) {add = true}
        %dma_wait3A = arith.constant 0 : i32
        %dma_wait3A_58 = arith.constant 0 : i32
        %dma_wait3A_59 = tpu.memref_slice %arg12[%dma_wait3A, %dma_wait3A_58] : memref<125x16xf32, #tpu.memory_space<vmem>> -> memref<125x16xf32, #tpu.memory_space<vmem>>
        %dma_wait3A_60 = arith.constant 0 : i32
        %dma_wait3A_61 = tpu.memref_slice %arg16[%scan3A_46, %run_scoped3A, %dma_wait3A_60] : memref<2x1x125xi32, #tpu.memory_space<vmem>> -> memref<1x1x125xi32, #tpu.memory_space<vmem>>
        %dma_wait3A_62 = tpu.memref_squeeze %dma_wait3A_61 : memref<1x1x125xi32, #tpu.memory_space<vmem>> -> memref<125xi32, #tpu.memory_space<vmem>>
        %dma_wait3A_63 = arith.constant 0 : i32
        %dma_wait3A_64 = arith.constant 0 : i32
        %dma_wait3A_65 = tpu.memref_slice %arg19[%dma_wait3A_63, %dma_wait3A_64] : memref<1008x16xf32, #tpu.memory_space<vmem_shared>> -> memref<1008x16xf32, #tpu.memory_space<vmem_shared>>
        tpu.wait_indirect_dma semaphore(%run_scoped3A_49 : memref<!tpu.dma_semaphore, #tpu.memory_space<semaphore_mem>>) src(%dma_wait3A_59 : memref<125x16xf32, #tpu.memory_space<vmem>>) dst(%dma_wait3A_65 : memref<1008x16xf32, #tpu.memory_space<vmem_shared>>)
        tpu.yield
      }) : () -> ()
      %scan3A_48 = arith.constant 0 : i32
      scf.yield %scan3A_48 : i32
    }
    %scan3A_32 = arith.constant 2 : i32
    %barrier3A_33 = arith.constant 0 : index
    tpu.barrier barrier_id(%barrier3A_33)
    %mul3A_34 = arith.constant 625 : i32
    %mul3A_35 = arith.muli %arg1, %mul3A_34 : i32
    %mul3A_36 = arith.constant 625 : i32
    %mul3A_37 = arith.muli %arg1, %mul3A_36 : i32
    "tpu.region"() ({
      %run_scoped3A = tpu.sem_alloc : memref<!tpu.dma_semaphore, #tpu.memory_space<semaphore_mem>>
      %dma_start3A = arith.constant 0 : i32
      %dma_start3A_46 = tpu.memref_slice %arg9[%arg0, %mul3A_37, %dma_start3A] : memref<2x10000x16xf32, #tpu.memory_space<hbm>> -> memref<1x625x16xf32, #tpu.memory_space<hbm>>
      %dma_start3A_47 = tpu.memref_squeeze %dma_start3A_46 : memref<1x625x16xf32, #tpu.memory_space<hbm>> -> memref<625x16xf32, #tpu.memory_space<hbm>>
      %dma_start3A_48 = arith.constant 0 : i32
      %dma_start3A_49 = tpu.memref_slice %arg17[%mul3A_35, %dma_start3A_48] : memref<10000x16xf32, #tpu.memory_space<vmem_shared>> -> memref<625x16xf32, #tpu.memory_space<vmem_shared>>
      tpu.enqueue_dma source(%dma_start3A_49 : memref<625x16xf32, #tpu.memory_space<vmem_shared>>) target(%dma_start3A_47 : memref<625x16xf32, #tpu.memory_space<hbm>>) target_semaphore(%run_scoped3A : memref<!tpu.dma_semaphore, #tpu.memory_space<semaphore_mem>>)
      %dma_wait3A = arith.constant 0 : i32
      %dma_wait3A_50 = tpu.memref_slice %arg9[%arg0, %mul3A_37, %dma_wait3A] : memref<2x10000x16xf32, #tpu.memory_space<hbm>> -> memref<1x625x16xf32, #tpu.memory_space<hbm>>
      %dma_wait3A_51 = tpu.memref_squeeze %dma_wait3A_50 : memref<1x625x16xf32, #tpu.memory_space<hbm>> -> memref<625x16xf32, #tpu.memory_space<hbm>>
      %dma_wait3A_52 = arith.constant 0 : i32
      %dma_wait3A_53 = tpu.memref_slice %arg17[%mul3A_35, %dma_wait3A_52] : memref<10000x16xf32, #tpu.memory_space<vmem_shared>> -> memref<625x16xf32, #tpu.memory_space<vmem_shared>>
      tpu.wait_dma2 semaphore(%run_scoped3A : memref<!tpu.dma_semaphore, #tpu.memory_space<semaphore_mem>>) src(%dma_wait3A_53 : memref<625x16xf32, #tpu.memory_space<vmem_shared>>) dst(%dma_wait3A_51 : memref<625x16xf32, #tpu.memory_space<hbm>>)
      tpu.yield
    }) : () -> ()
    %mul3A_38 = arith.constant 63 : i32
    %mul3A_39 = arith.muli %arg1, %mul3A_38 : i32
    %mul3A_40 = arith.constant 63 : i32
    %mul3A_41 = arith.muli %arg1, %mul3A_40 : i32
    "tpu.region"() ({
      %run_scoped3A = tpu.sem_alloc : memref<!tpu.dma_semaphore, #tpu.memory_space<semaphore_mem>>
      %dma_start3A = arith.constant 0 : i32
      %dma_start3A_46 = tpu.memref_slice %arg10[%arg0, %mul3A_41, %dma_start3A] : memref<2x1008x16xf32, #tpu.memory_space<hbm>> -> memref<1x63x16xf32, #tpu.memory_space<hbm>>
      %dma_start3A_47 = tpu.memref_squeeze %dma_start3A_46 : memref<1x63x16xf32, #tpu.memory_space<hbm>> -> memref<63x16xf32, #tpu.memory_space<hbm>>
      %dma_start3A_48 = arith.constant 0 : i32
      %dma_start3A_49 = tpu.memref_slice %arg18[%mul3A_39, %dma_start3A_48] : memref<1008x16xf32, #tpu.memory_space<vmem_shared>> -> memref<63x16xf32, #tpu.memory_space<vmem_shared>>
      tpu.enqueue_dma source(%dma_start3A_49 : memref<63x16xf32, #tpu.memory_space<vmem_shared>>) target(%dma_start3A_47 : memref<63x16xf32, #tpu.memory_space<hbm>>) target_semaphore(%run_scoped3A : memref<!tpu.dma_semaphore, #tpu.memory_space<semaphore_mem>>)
      %dma_wait3A = arith.constant 0 : i32
      %dma_wait3A_50 = tpu.memref_slice %arg10[%arg0, %mul3A_41, %dma_wait3A] : memref<2x1008x16xf32, #tpu.memory_space<hbm>> -> memref<1x63x16xf32, #tpu.memory_space<hbm>>
      %dma_wait3A_51 = tpu.memref_squeeze %dma_wait3A_50 : memref<1x63x16xf32, #tpu.memory_space<hbm>> -> memref<63x16xf32, #tpu.memory_space<hbm>>
      %dma_wait3A_52 = arith.constant 0 : i32
      %dma_wait3A_53 = tpu.memref_slice %arg18[%mul3A_39, %dma_wait3A_52] : memref<1008x16xf32, #tpu.memory_space<vmem_shared>> -> memref<63x16xf32, #tpu.memory_space<vmem_shared>>
      tpu.wait_dma2 semaphore(%run_scoped3A : memref<!tpu.dma_semaphore, #tpu.memory_space<semaphore_mem>>) src(%dma_wait3A_53 : memref<63x16xf32, #tpu.memory_space<vmem_shared>>) dst(%dma_wait3A_51 : memref<63x16xf32, #tpu.memory_space<hbm>>)
      tpu.yield
    }) : () -> ()
    %mul3A_42 = arith.constant 63 : i32
    %mul3A_43 = arith.muli %arg1, %mul3A_42 : i32
    %mul3A_44 = arith.constant 63 : i32
    %mul3A_45 = arith.muli %arg1, %mul3A_44 : i32
    "tpu.region"() ({
      %run_scoped3A = tpu.sem_alloc : memref<!tpu.dma_semaphore, #tpu.memory_space<semaphore_mem>>
      %dma_start3A = arith.constant 0 : i32
      %dma_start3A_46 = tpu.memref_slice %arg11[%arg0, %mul3A_45, %dma_start3A] : memref<2x1008x16xf32, #tpu.memory_space<hbm>> -> memref<1x63x16xf32, #tpu.memory_space<hbm>>
      %dma_start3A_47 = tpu.memref_squeeze %dma_start3A_46 : memref<1x63x16xf32, #tpu.memory_space<hbm>> -> memref<63x16xf32, #tpu.memory_space<hbm>>
      %dma_start3A_48 = arith.constant 0 : i32
      %dma_start3A_49 = tpu.memref_slice %arg19[%mul3A_43, %dma_start3A_48] : memref<1008x16xf32, #tpu.memory_space<vmem_shared>> -> memref<63x16xf32, #tpu.memory_space<vmem_shared>>
      tpu.enqueue_dma source(%dma_start3A_49 : memref<63x16xf32, #tpu.memory_space<vmem_shared>>) target(%dma_start3A_47 : memref<63x16xf32, #tpu.memory_space<hbm>>) target_semaphore(%run_scoped3A : memref<!tpu.dma_semaphore, #tpu.memory_space<semaphore_mem>>)
      %dma_wait3A = arith.constant 0 : i32
      %dma_wait3A_50 = tpu.memref_slice %arg11[%arg0, %mul3A_45, %dma_wait3A] : memref<2x1008x16xf32, #tpu.memory_space<hbm>> -> memref<1x63x16xf32, #tpu.memory_space<hbm>>
      %dma_wait3A_51 = tpu.memref_squeeze %dma_wait3A_50 : memref<1x63x16xf32, #tpu.memory_space<hbm>> -> memref<63x16xf32, #tpu.memory_space<hbm>>
      %dma_wait3A_52 = arith.constant 0 : i32
      %dma_wait3A_53 = tpu.memref_slice %arg19[%mul3A_43, %dma_wait3A_52] : memref<1008x16xf32, #tpu.memory_space<vmem_shared>> -> memref<63x16xf32, #tpu.memory_space<vmem_shared>>
      tpu.wait_dma2 semaphore(%run_scoped3A : memref<!tpu.dma_semaphore, #tpu.memory_space<semaphore_mem>>) src(%dma_wait3A_53 : memref<63x16xf32, #tpu.memory_space<vmem_shared>>) dst(%dma_wait3A_51 : memref<63x16xf32, #tpu.memory_space<hbm>>)
      tpu.yield
    }) : () -> ()
    return
  }
}

</mosaic_0001>

<sc_bundles>
// kernel: _sc_count3.3.cloned.1.call-start
scs
__scs_entry_jumppad:
0x0: {  	(pc) =	sbr.rel $0x88, $3  }
0x1: {  	(tag) =	ssettag $0x0;
	lr =	simm.s32 $0x1  }
0x2: {  	[smem:$0x3F9A] =	sst lr;
	_ =	strace $0xD0000000  }
0x3: {  	_ = 	snop  }
0x4: {  	_ = 	snop  }
0x5: {  	_ = 	snop  }
0x6: {  	_ = 	snop  }
0x7: {  	_ = 	snop  }
__scs_overlays_trampoline_lowered:
0x8: {  	[smem:$0x3FA9] =	sst s0  }
0x9: {  	[smem:$0x3FAA] =	sst s1  }
0xa: {  	[smem:$0x3FAB] =	sst s2  }
0xb: {  	[smem:$0x3FAC] =	sst s3  }
0xc: {  	[smem:$0x3FAD] =	sst s4  }
0xd: {  	[smem:$0x3FAE] =	sst s5  }
0xe: {  	[smem:$0x3FAF] =	sst s6  }
0xf: {  	[smem:$0x3FB0] =	sst s7  }
0x10: {  	[smem:$0x3FB1] =	sst s8  }
0x11: {  	[smem:$0x3FB2] =	sst s9;
	s0 =	simm.s32 @!p0 $0x0  }
0x12: {  	s1 =	sld [smem:$0x3F98];
	s0 =	simm.s32 @p0 $0x1  }
0x13: {  	[smem:$0x3FB3] =	sst s0;
	s0 =	simm.s32 @!p1 $0x0  }
0x14: {  	s2 =	sld [smem:$0x3F97];
	s0 =	simm.s32 @p1 $0x1  }
0x15: {  	[smem:$0x3FB4] =	sst s0;
	s0 =	simm.s32 @!p2 $0x0  }
0x16: {  	s3 =	sld [smem:$0x3FDB];
	s0 =	simm.s32 @p2 $0x1  }
0x17: {  	s4 =	simm.s32 $0x1BF5;
	[smem:$0x3FB6] =	sst s0  }
0x18: {  	s0 =	sld [smem:$0x3F99];
	_ =	swait.ge [sflag:s4], $0x0  }
0x19: {  	s7 =	sld [smem:$0x3F9A]  }
0x1a: {  	s8 =	sadd.s32 $0xFFFFE003, lr  }
0x1b: {  	s9 =	sadd.s32 $0xFFFFFEF7, lr;
	s5 =	simm.s32 $0xFFFFFFFF;
	p2 =	slt.u32 s8, $0xFFFFF086  }
0x1c: {  	p1 =	slt.u32 s9, $0xF7A;
	s5 =	simm.s32 @!p2 $0x0  }
0x1d: {  	s5 =	simm.s32 @p1 $0x1;
	p0 =	seq.s32 s7, s2  }
0x1e: {  	s7 =	smul.u32 @!p0 $0xF7A, s2;
	p2 =	seq.s32 @!p0 s5, $0x0  }
0x1f: {  	s9 =	smul.u32 $0xF7A, s1;
	s8 =	simm.s32 @!p0 $0x1BF5;
	p2 =	por !p2, p0  }
0x20: {  	[sflag:s8] =	ssyncset.s32 @!p0 $0xFFFFF086;
	s6 =	sadd.s32 @!p0 s3, s7;
	s7 =	simm.s32 @!p0 $0x108  }
0x21: {  	s3 =	sadd.s32 s3, s9;
	s6 =	sadd.s32 @!p0 $0x88, s6;
	s7 =	simm.s32 @p2 $0x1082  }
0x22: {  	[simem:s7], [sflag:s8] =	dma.local @!p0 [hbm:s6], $0xF7A  }
0x23: {  	s9 =	sor.u32 $0xD0000000, s2;
	s6 =	simm.s32 $0x108;
	_ =	swait.ge @!p0 [sflag:s8], $0x0  }
0x24: {  	s3 =	sadd.s32 $0x88, s3;
	s6 =	simm.s32 @!p1 $0x1082;
	[sflag:s4] =	ssyncset.s32 $0xFFFFF086  }
0x25: {  	[simem:s6], [sflag:s4] =	dma.local [hbm:s3], $0xF7A  }
0x26: {  	[smem:$0x3F9A] =	sst s1;
	(tag) =	ssettag s2;
	_ =	strace s9  }
0x27: {  	s1 =	sld [smem:$0x3FAA]  }
0x28: {  	s2 =	sld [smem:$0x3FAB]  }
0x29: {  	s4 =	sld [smem:$0x3FAD]  }
0x2a: {  	p0 =	seq.s32 s5, $0x0;
	s5 =	sld [smem:$0x3FAE]  }
0x2b: {  	s6 =	sld [smem:$0x3FAF]  }
0x2c: {  	s7 =	sld [smem:$0x3FB0]  }
0x2d: {  	s3 =	simm.s32 $0x108;
	s8 =	sld [smem:$0x3FB1]  }
0x2e: {  	s3 =	simm.s32 @!p0 $0x1082;
	s9 =	sld [smem:$0x3FB2]  }
0x2f: {  	lr =	sadd.s32 s0, s3;
	s0 =	sld [smem:$0x3FA9]  }
0x30: {  	s3 =	sld [smem:$0x3FAC]  }
0x31: {  	[smem:$0x3FB5] =	sst s10  }
0x32: {  	s10 =	sld [smem:$0x3FB3];
	_ =	sdelay $0x3  }
0x33: {  	p0 =	seq.s32 s10, $0x1;
	s10 =	sld [smem:$0x3FB5];
	_ =	sdelay $0x3  }
0x34: {  	[smem:$0x3FB5] =	sst s10  }
0x35: {  	s10 =	sld [smem:$0x3FB4];
	_ =	sdelay $0x3  }
0x36: {  	p1 =	seq.s32 s10, $0x1;
	s10 =	sld [smem:$0x3FB5];
	_ =	sdelay $0x3  }
0x37: {  	[smem:$0x3FB5] =	sst s10  }
0x38: {  	s10 =	sld [smem:$0x3FB6]  }
0x39: {  	_ = 	snop;
	(pc) =	sbr.ind lr, $3  }
0x3a: {  	_ = 	snop  }
0x3b: {  	_ = 	snop  }
0x3c: {  	p2 =	seq.s32 s10, $0x1;
	s10 =	sld [smem:$0x3FB5]  }
0x3d: {  	_ =	shalt  }
0x3e: {  	_ =	shalt  }
0x3f: {  	_ =	shalt  }
0x40: {  	_ =	shalt  }
0x41: {  	_ =	shalt  }
0x42: {  	_ =	shalt  }
0x43: {  	_ =	shalt  }
0x44: {  	_ =	shalt  }
0x45: {  	_ =	shalt  }
0x46: {  	_ =	shalt  }
0x47: {  	_ =	shalt  }
0x48: {  	_ =	shalt  }
0x49: {  	_ =	shalt  }
0x4a: {  	_ =	shalt  }
0x4b: {  	_ =	shalt  }
0x4c: {  	_ =	shalt  }
0x4d: {  	_ =	shalt  }
0x4e: {  	_ =	shalt  }
0x4f: {  	_ =	shalt  }
0x50: {  	_ =	shalt  }
0x51: {  	_ =	shalt  }
0x52: {  	_ =	shalt  }
0x53: {  	_ =	shalt  }
0x54: {  	_ =	shalt  }
0x55: {  	_ =	shalt  }
0x56: {  	_ =	shalt  }
0x57: {  	_ =	shalt  }
0x58: {  	_ =	shalt  }
0x59: {  	_ =	shalt  }
0x5a: {  	_ =	shalt  }
0x5b: {  	_ =	shalt  }
0x5c: {  	_ =	shalt  }
0x5d: {  	_ =	shalt  }
0x5e: {  	_ =	shalt  }
0x5f: {  	_ =	shalt  }
0x60: {  	_ =	shalt  }
0x61: {  	_ =	shalt  }
0x62: {  	_ =	shalt  }
0x63: {  	_ =	shalt  }
0x64: {  	_ =	shalt  }
0x65: {  	_ =	shalt  }
0x66: {  	_ =	shalt  }
0x67: {  	_ =	shalt  }
0x68: {  	_ =	shalt  }
0x69: {  	_ =	shalt  }
0x6a: {  	_ =	shalt  }
0x6b: {  	_ =	shalt  }
0x6c: {  	_ =	shalt  }
0x6d: {  	_ =	shalt  }
0x6e: {  	_ =	shalt  }
0x6f: {  	_ =	shalt  }
0x70: {  	_ =	shalt  }
0x71: {  	_ =	shalt  }
0x72: {  	_ =	shalt  }
0x73: {  	_ =	shalt  }
0x74: {  	_ =	shalt  }
0x75: {  	_ =	shalt  }
0x76: {  	_ =	shalt  }
0x77: {  	_ =	shalt  }
0x78: {  	_ =	shalt  }
0x79: {  	_ =	shalt  }
0x7a: {  	_ =	shalt  }
0x7b: {  	_ =	shalt  }
0x7c: {  	_ =	shalt  }
0x7d: {  	_ =	shalt  }
0x7e: {  	_ =	shalt  }
0x7f: {  	_ =	shalt  }
0x80: {  	_ =	shalt  }
0x81: {  	_ =	shalt  }
0x82: {  	_ =	shalt  }
0x83: {  	_ =	shalt  }
0x84: {  	_ =	shalt  }
0x85: {  	_ =	shalt  }
0x86: {  	_ =	shalt  }
0x87: {  	_ =	shalt  }
.Lfunc_end0:
.L_simem_size_0:
called_computation_lowered:
.L_overlay_start_0:
0x88: {  	s2 =	sld [smem:$0x3FD9]  }
0x89: {  	s3 =	sld [smem:$0x3FFE];
	_ =	sdelay $0x1  }
0x8a: {  	s1 =	srdreg.scid  }
0x8b: {  	s0 =	sand.u32 $0x1, s1  }
0x8c: {  	s14 =	sshll.u32 s0, $0xA;
	s2 =	sadd.s32 s3, s2  }
0x8d: {  	s2 =	sadd.s32 s2, s14  }
0x8e: {  	[smem:$0x3FC1] =	sst s2  }
0x8f: {  	_ = 	snop  }
0x90: {  	s2 =	sld [smem:$0x3FD0];
	_ =	sdelay $0x2  }
0x91: {  	s15 =	simm.s32 $0xA;
	s4 =	simm.s32 $0x10  }
0x92: {  	[smem:s4], [sflag:s15] =	dma.local [hbm:s2], $0x1  }
0x93: {  	_ =	swait.eq [sflag:s15], $0x1  }
0x94: {  	s16 =	sld [smem:$0x10];
	[sflag:s15] =	ssyncset.done $0x0  }
0x95: {  	s17 =	sld [smem:$0x11];
	[sflag:s15] =	ssyncadd.s32 $0xFFFFFFFF  }
0x96: {  	s18 =	sld [smem:$0x12];
	(tm) =	ssettm $0x1  }
0x97: {  	s5 =	sld [smem:$0x3FFB];
	_ =	sdelay $0x3  }
0x98: {  	_ =	strace s5  }
0x99: {  	s5 =	sld [smem:$0x3FFC];
	_ =	sdelay $0x3  }
0x9a: {  	_ =	strace s5  }
0x9b: {  	s5 =	sld [smem:$0x3FFD];
	_ =	sdelay $0x3  }
0x9c: {  	_ =	strace s5  }
0x9d: {  	_ =	strace $0x8FFFFFFF  }
0x9e: {  	s19 =	sld [smem:$0x3FDB];
	_ =	sdelay $0x1  }
0x9f: {  	s6 =	simm.s32 $_scs_section_size  }
0xa0: {  	s7 =	simm.s32 $_size__tile_overlayer_lowered;
	s8 =	simm.s32 $_tile_overlayer_lowered  }
0xa1: {  	s22 =	simm.s32 $0x1BFF;
	s21 =	sshll.u32 s8, $0x1;
	s5 =	sadd.s32 s6, s19  }
0xa2: {  	s9 =	simm.s32 $0x0;
	s20 =	sshll.u32 s7, $0x1;
	s7 =	sadd.s32 s21, s5  }
0xa3: {  	[timem:s9], [sflag:s22] =	dma.local [hbm:s7], s20  }
0xa4: {  	_ =	swait.ge [sflag:s22], s20  }
0xa5: {  	s6 =	ssub.s32 $0x0, s20;
	[sflag:s22] =	ssyncset.done $0x0  }
0xa6: {  	[sflag:s22] =	ssyncadd.s32 s6;
	_ =	sdelay $0x1  }
0xa7: {  	s23 =	simm.s32 $0x1B8B  }
0xa8: {  	_ =	swait.ge [sflag:s23], $0x1  }
0xa9: {  	[sflag:s23] =	ssyncset.done $0x0  }
0xaa: {  	s25 =	simm.s32 $0x1B8E;
	s24 =	sld [smem:$0x3FFE];
	[sflag:s23] =	ssyncadd.s32 $0xFFFFFFFF  }
0xab: {  	s26 =	simm.s32 $execute0_lowered;
	[smem:$0x3FD2] =	sst s25  }
0xac: {  	s7 =	sshll.u32 s26, $0x1;
	_ =	strace $0x80000046;
	[dreg:$0x1] =	wrdreg $0xFFFFFFFF  }
0xad: {  	s28 =	simm.s32 $_size_execute0_lowered;
	s5 =	sadd.s32 s5, s7;
	[dreg:$0x0] =	wrdreg $0x0  }
0xae: {  	s7 =	sshll.u32 s28, $0x1;
	[dreg:$0x2] =	wrdreg s5  }
0xaf: {  	[dreg:$0x3] =	wrdreg s7  }
0xb0: {  	[dreg:$0x4] =	wrdreg $0xC0  }
0xb1: {  	_ =	task [dreg:s9], $0x5FFFF  }
0xb2: {  	[dreg:$0x1] =	wrdreg $0xFFFFFFFF  }
0xb3: {  	[dreg:$0x0] =	wrdreg $0x60  }
0xb4: {  	[dreg:$0x2] =	wrdreg s24  }
0xb5: {  	[dreg:$0x3] =	wrdreg s17  }
0xb6: {  	[dreg:$0x4] =	wrdreg s16  }
0xb7: {  	[dreg:$0x5] =	wrdreg s18  }
0xb8: {  	[dreg:$0x6] =	wrdreg $0x23100  }
0xb9: {  	[dreg:$0x7] =	wrdreg $0x4A200  }
0xba: {  	[dreg:$0x8] =	wrdreg $0x4E100  }
0xbb: {  	[dreg:$0x9] =	wrdreg $0x9  }
0xbc: {  	_ =	task.clear_ibuf [dreg:s9], $0xAFFFF;
	_ =	strace $0x90000046  }
0xbd: {  	s29 =	simm.s32 $0x9;
	_ =	strace $0x80000048  }
0xbe: {  	_ =	swait.ge [sflag:s29], $0x1  }
0xbf: {  	[sflag:s29] =	ssyncadd.s32 $0xFFFFFFFF  }
0xc0: {  	_ =	strace $0x90000048  }
0xc1: {  	_ =	sfence  }
0xc2: {  	s30 =	sld [smem:$0x0];
	_ =	sdelay $0x2  }
0xc3: {  	s31 =	sshll.u32 s1, $0xD;
	s1 =	sshrl.u32 s1, $0x2  }
0xc4: {  	s3 =	sand.u32 $0x4000, s31;
	s1 =	sadd.s32 s1, s30  }
0xc5: {  	s0 =	sor.u32 s3, s0;
	s1 =	sshll.u32 s1, $0x11  }
0xc6: {  	s0 =	sor.u32 s1, s0  }
0xc7: {  	s0 =	sadd.s32 $0x8F2B, s0  }
0xc8: {  	[sflag:s0] =	ssyncadd.remote.s32 $0x1  }
0xc9: {  	_ =	sfence.sel $0xFFFF  }
0xca: {  	[dreg:$0x0] =	wrdreg $0xFFFFFFFF;
	(pc) =	sbr.abs _section_cstart, $3  }
0xcb: {  	[dreg:$0x1] =	wrdreg $0xFFFFFFFF  }
0xcc: {  	_ =	task.clear_ibuf [dreg:s9], $0x2FFFF;
	_ =	strace $0x9FFFFFFF  }
0xcd: {  	(tm) =	ssettm $0x7FFFFFFF  }
tec
execute0_lowered:
.L_overlay_start_1:
0x0: {  	(tag) =	ssettag $0x1  }
0x1: {  	s0 =	rddreg [dreg:$0x0]  }
0x2: {  	s2 =	rddreg [dreg:$0x1]  }
0x3: {  	s16 =	rddreg [dreg:$0x2]  }
0x4: {  	s17 =	rddreg [dreg:$0x3]  }
0x5: {  	s3 =	srdreg.scid;
	s11 =	stileid.u32  }
0x6: {  	s1 =	rddreg [dreg:$0x4];
	s5 =	simm.s32 $0x0;
	s23 =	simm.s32 $0x20D0  }
0x7: {  	s24 =	simm.s32 $0x2210;
	s25 =	simm.s32 $0x7D;
	s13 =	smul.u32 $0x2710, s11  }
0x8: {  	s8 =	sand.u32 $0x1, s3;
	s3 =	rddreg [dreg:$0x5];
	s15 =	smul.u32 $0x3F0, s11  }
0x9: {  	s4 =	sshll.u32 s11, $0x1;
	[smem:$0x7FF] =	sst s5;
	s26 =	smul.u32 $0x3F00, s8  }
0xa: {  	s6 =	sor.u32 s8, s4;
	s4 =	rddreg [dreg:$0x6];
	s29 =	smul.u32 $0x27100, s8  }
0xb: {  	_ =	strace $0x80000047;
	s18 =	ssub.s32 $0x2, s8;
	s7 =	smul.u32 $0x280, s6  }
0xc: {  	s9 =	smul.u32 $0x28, s6;
	s6 =	sshll.u32 s6, $0x5;
	s14 =	sshrl.u32 s13, $0x3  }
0xd: {  	s28 =	sshrl.u32 s18, $0x1;
	s31 =	sshrl.u32 s15, $0x3;
	s12 =	sadd.s32 s6, s0  }
0xe: {  	s6 =	sadd.s32 $0x1200, s0;
	s11 =	sadd.s32 s15, s26;
	s14 =	sadd.s32 s14, s0  }
0xf: {  	s20 =	ssub.s32 s18, s28;
	s30 =	sadd.s32 s13, s29;
	s26 =	simm.s32 $0x50  }
0x10: {  	s10 =	sadd.s32 s7, s0;
	s9 =	sadd.s32 s9, s0;
	s7 =	sadd.s32 $0x600, s0  }
0x11: {  	s19 =	sshrl.u32 s11, $0x3;
	s11 =	sadd.s32 s13, s1;
	s13 =	sadd.s32 s15, s3  }
0x12: {  	s21 =	sshrl.u32 s30, $0x3;
	s15 =	sadd.s32 s15, s4;
	s0 =	sadd.s32 s19, s0  }
0x13: {  	s8 =	sadd.s32 $0x1400, s10;
	s9 =	sadd.s32 $0xC00, s9;
	s10 =	sadd.s32 $0x800, s12  }
0x14: {  	s12 =	sadd.s32 $0x6400, s14;
	s14 =	sadd.s32 s2, s31;
	s16 =	sadd.s32 s16, s21  }
0x15: {  	s17 =	sadd.s32 s17, s19;
	s19 =	smax.u32 s20, $0x1;
	s20 =	simm.s32 $0x1  }
0x16: {  	s21 =	simm.s32 $0x7D0;
	s2 =	simm.s32 $0x0;
	s18 =	sadd.s32 $0xB400, s0  }
.LBB2_1:
0x17: {  	[tilespmem:s5], [sflag:$0x1] =	stream.linear.gather [hbm4b:s6+s5], $0x7D0, $0x38;
	[tilespmem:$0x5200] =	vst v63  }
0x18: {  	_ =	swait.ge [sflag:s20], $0x7D0  }
0x19: {  	[sflag:s20] =	ssyncset.done $0x0  }
0x1a: {  	[sflag:s20] =	ssyncadd.s32 $0xFFFFF830  }
0x1b: {  	[tilespmem:s21], [sflag:$0x1] =	stream.linear.gather [hbm4b:s7+s5], $0x500, $0x38;
	[tilespmem:$0x5200] =	vst v63  }
0x1c: {  	_ =	swait.ge [sflag:s20], $0x500  }
0x1d: {  	[sflag:s20] =	ssyncset.done $0x0  }
0x1e: {  	s0 =	simm.s32 $0xCD0;
	[sflag:s20] =	ssyncadd.s32 $0xFFFFFB00  }
0x1f: {  	[tilespmem:s0], [sflag:$0x1] =	stream.linear.gather [hbm4b:s8+s5], $0x1400, $0x38;
	[tilespmem:$0x5200] =	vst v63  }
0x20: {  	_ =	swait.ge [sflag:s20], $0x1400  }
0x21: {  	[sflag:s20] =	ssyncset.done $0x0  }
0x22: {  	[sflag:s20] =	ssyncadd.s32 $0xFFFFEC00  }
0x23: {  	[tilespmem:s23], [sflag:$0x1] =	stream.linear.gather [hbm4b:s9+s5], $0x140, $0x38;
	[tilespmem:$0x5200] =	vst v63  }
0x24: {  	_ =	swait.ge [sflag:s20], $0x140  }
0x25: {  	[sflag:s20] =	ssyncset.done $0x0  }
0x26: {  	[sflag:s20] =	ssyncadd.s32 $0xFFFFFEC0  }
0x27: {  	[tilespmem:s24], [sflag:$0x1] =	stream.linear.gather [hbm4b:s10+s5], $0x100, $0x38;
	[tilespmem:$0x5200] =	vst v63  }
0x28: {  	s31 =	stileid.u32;
	_ =	swait.ge [sflag:s20], $0x100  }
0x29: {  	s0 =	sshll.u32 s31, $0x6;
	[sflag:s20] =	ssyncset.done $0x0  }
0x2a: {  	s22 =	sshrl.u32 s11, $0x3;
	s0 =	sor.u32 $0x1C01, s0;
	[sflag:s20] =	ssyncadd.s32 $0xFFFFFF00  }
0x2b: {  	[spmem:s22], [sflag:s0] =	dma.local [hbm:s12], $0x4E2  }
0x2c: {  	_ =	swait.ge [sflag:s20], $0x4E2  }
0x2d: {  	[sflag:s20] =	ssyncset.done $0x0  }
0x2e: {  	s28 =	sshrl.u32 s13, $0x3;
	[sflag:s20] =	ssyncadd.s32 $0xFFFFFB1E  }
0x2f: {  	[spmem:s28], [sflag:s0] =	dma.local [hbm:s14], $0x7E  }
0x30: {  	_ =	swait.ge [sflag:s20], $0x7E  }
0x31: {  	[sflag:s20] =	ssyncset.done $0x0  }
0x32: {  	s29 =	sshrl.u32 s15, $0x3;
	[sflag:s20] =	ssyncadd.s32 $0xFFFFFF82  }
0x33: {  	[spmem:s29], [sflag:s0] =	dma.local [hbm:s14], $0x7E  }
0x34: {  	_ =	swait.ge [sflag:s20], $0x7E  }
0x35: {  	[sflag:s20] =	ssyncset.done $0x0  }
0x36: {  	[sflag:s20] =	ssyncadd.s32 $0xFFFFFF82  }
0x37: {  	s30 =	simm.s32 $0xCD0;
	[bflag:$0x0] =	sbarrier.arrive $0xFFFF  }
0x38: {  	[spmem:s1] =	stream.indirect.scatter.add.f32 [tilespmem:s5], [sflag:$0x1], $0x10, s30, s25, $0xb8;
	[tilespmem:$0x5200] =	vst v63  }
0x39: {  	s30 =	simm.s32 $0x200;
	_ =	swait.ge [sflag:s20], $0x7D0  }
.LBB2_2:
0x3a: {  	s31 =	sshra.s32 s30, $0x2;
	[sflag:s20] =	ssyncset.done $0x0;
	p0 =	sne.s32 s30, $0x4E00  }
.Ltmp0:
0x3b: {  	s31 =	sadd.s32 $0xCD0, s31;
	[sflag:s20] =	ssyncadd.s32 $0xFFFFF830;
	(pc) =	sbr.rel @p0 .LBB2_2-.Ltmp0, $3  }
0x3c: {  	[spmem:s1] =	stream.indirect.scatter.add.f32 [tilespmem:s5], [sflag:$0x1], $0x10, s31, s25, $0xb8;
	[tilespmem:$0x5200] =	vst v63  }
0x3d: {  	s30 =	sadd.s32 $0x200, s30;
	_ =	sdelay $0x1  }
0x3e: {  	_ =	swait.ge [sflag:s20], $0x7D0  }
0x3f: {  	[sflag:s20] =	ssyncset.done $0x0  }
0x40: {  	[sflag:s20] =	ssyncadd.s32 $0xFFFFF830  }
0x41: {  	[spmem:s3] =	stream.indirect.scatter.add.f32 [tilespmem:s21], [sflag:$0x1], $0x10, s23, s26, $0xb8;
	[tilespmem:$0x5200] =	vst v63  }
0x42: {  	_ =	swait.ge [sflag:s20], $0x500  }
0x43: {  	[sflag:s20] =	ssyncset.done $0x0  }
0x44: {  	s30 =	simm.s32 $0x2120;
	[sflag:s20] =	ssyncadd.s32 $0xFFFFFB00  }
0x45: {  	[spmem:s3] =	stream.indirect.scatter.add.f32 [tilespmem:s21], [sflag:$0x1], $0x10, s30, s26, $0xb8;
	[tilespmem:$0x5200] =	vst v63  }
0x46: {  	_ =	swait.ge [sflag:s20], $0x500  }
0x47: {  	[sflag:s20] =	ssyncset.done $0x0  }
0x48: {  	s31 =	simm.s32 $0x2170;
	[sflag:s20] =	ssyncadd.s32 $0xFFFFFB00  }
0x49: {  	[spmem:s3] =	stream.indirect.scatter.add.f32 [tilespmem:s21], [sflag:$0x1], $0x10, s31, s26, $0xb8;
	[tilespmem:$0x5200] =	vst v63  }
0x4a: {  	_ =	swait.ge [sflag:s20], $0x500  }
0x4b: {  	[sflag:s20] =	ssyncset.done $0x0  }
0x4c: {  	s31 =	simm.s32 $0x21C0;
	[sflag:s20] =	ssyncadd.s32 $0xFFFFFB00  }
0x4d: {  	[spmem:s3] =	stream.indirect.scatter.add.f32 [tilespmem:s21], [sflag:$0x1], $0x10, s31, s26, $0xb8;
	[tilespmem:$0x5200] =	vst v63  }
0x4e: {  	_ =	swait.ge [sflag:s20], $0x500  }
0x4f: {  	[sflag:s20] =	ssyncset.done $0x0  }
0x50: {  	[sflag:s20] =	ssyncadd.s32 $0xFFFFFB00  }
0x51: {  	[spmem:s4] =	stream.indirect.scatter.add.f32 [tilespmem:s5], [sflag:$0x1], $0x10, s24, s25, $0xb8;
	[tilespmem:$0x5200] =	vst v63  }
0x52: {  	_ =	swait.ge [sflag:s20], $0x7D0  }
0x53: {  	[sflag:s20] =	ssyncset.done $0x0  }
0x54: {  	s31 =	simm.s32 $0x2290;
	[sflag:s20] =	ssyncadd.s32 $0xFFFFF830  }
0x55: {  	[spmem:s4] =	stream.indirect.scatter.add.f32 [tilespmem:s5], [sflag:$0x1], $0x10, s31, s25, $0xb8;
	[tilespmem:$0x5200] =	vst v63  }
0x56: {  	_ =	swait.ge [sflag:s20], $0x7D0  }
0x57: {  	[sflag:s20] =	ssyncset.done $0x0  }
0x58: {  	[sflag:s20] =	ssyncadd.s32 $0xFFFFF830  }
0x59: {  	[bflag:$0x0] =	sbarrier.arrive $0xFFFF  }
0x5a: {  	[hbm:s16], [sflag:s0] =	dma.local [spmem:s22], $0x4E2  }
0x5b: {  	_ =	swait.ge [sflag:s20], $0x4E2  }
0x5c: {  	[sflag:s20] =	ssyncset.done $0x0  }
0x5d: {  	[sflag:s20] =	ssyncadd.s32 $0xFFFFFB1E  }
0x5e: {  	[hbm:s17], [sflag:s0] =	dma.local [spmem:s28], $0x7E  }
0x5f: {  	s2 =	sadd.s32 $0x1, s2;
	_ =	swait.ge [sflag:s20], $0x7E  }
0x60: {  	p0 =	sne.s32 s2, s19;
	[sflag:s20] =	ssyncset.done $0x0  }
.Ltmp1:
0x61: {  	[sflag:s20] =	ssyncadd.s32 $0xFFFFFF82;
	(pc) =	sbr.rel @p0 .LBB2_1-.Ltmp1, $4  }
0x62: {  	[hbm:s18], [sflag:s0] =	dma.local [spmem:s29], $0x7E  }
0x63: {  	_ =	swait.ge [sflag:s20], $0x7E  }
0x64: {  	[sflag:s20] =	ssyncset.done $0x0  }
0x65: {  	[sflag:s20] =	ssyncadd.s32 $0xFFFFFF82  }
0x66: {  	_ =	sfence.sel $0x180000  }
0x67: {  	[bflag:$0x0] =	sbarrier.arrive $0xFFFF  }
0x68: {  	_ =	strace $0x90000047  }
0x69: {  	s0 =	stileid.u32;
	[bflag:$0x2] =	sbarrier.arrive $0xFFFF  }
0x6a: {  	p0 =	sne.s32 s0, $0x0;
	s0 =	rddreg [dreg:$0x7]  }
0x6b: {  	s0 =	sadd.s32 @!p0 $0x100000, s0  }
0x6c: {  	[sflag:s0] =	ssyncadd.tile.s32 @!p0 $0x1;
	_ =	shalt  }
.Lfunc_end2:
_tile_overlayer_lowered:
.L_overlay_start_2:
0x6d: {  	(tag) =	ssettag $0x2  }
0x6e: {  	s0 =	rddreg [dreg:$0x0];
	s2 =	stileid.u32  }
0x6f: {  	s1 =	rddreg [dreg:$0x1];
	p0 =	sne.s32 s2, $0x0  }
0x70: {  	s3 =	rddreg [dreg:$0x2];
	[bflag:$0x3] =	sbarrier.arrive $0xFFFF;
	s2 =	simm.s32 @!p0 $0x1C01  }
0x71: {  	[timem:s3], [sflag:s2] =	dma.local @!p0 [hbm:s0], s1  }
0x72: {  	s0 =	simm.s32 @!p0 $0x1  }
0x73: {  	_ =	swait.ge @!p0 [sflag:s0], s1  }
0x74: {  	s1 =	ssub.s32 @!p0 $0x0, s1;
	[sflag:s0] =	ssyncset.done @!p0 $0x0  }
0x75: {  	[sflag:s0] =	ssyncadd.s32 @!p0 s1  }
0x76: {  	[bflag:$0x3] =	sbarrier.arrive $0xFFFF  }
0x77: {  	_ =	shalt  }

</sc_bundles>
